<compile_context>
chip_gen: v7x
topology: tpu7x:2x2x1
jax: 0.10.2.dev20260603
libtpu: 0.0.44.dev20260713+nightly
codegen_flags: <defaults>
</compile_context>

<pallas_src>
import functools

import jax
import jax.numpy as jnp
from jax import lax
from jax.experimental import pallas as pl
from jax.experimental.pallas import tpu as pltpu
from jax.experimental.pallas import tpu_sc as plsc

N_PAD = 10112
D = 128
NREL = 8
NC, NS, L = 2, 16, 16
CHUNK = 128
ROWS_PER_TILE = N_PAD // NS


def _matmul_body(x_ref, w_ref, y_ref):
    y_ref[0] = jnp.dot(x_ref[...], w_ref[0], preferred_element_type=jnp.float32)


MM_BLK = N_PAD // 8


def _matmul(x_pad, w_all):
    return pl.pallas_call(
        _matmul_body,
        grid=(8, w_all.shape[0]),
        in_specs=[
            pl.BlockSpec((MM_BLK, D), lambda i, r: (i, 0)),
            pl.BlockSpec((1, D, D), lambda i, r: (r, 0, 0)),
        ],
        out_specs=pl.BlockSpec((1, MM_BLK, D), lambda i, r: (r, i, 0)),
        out_shape=jax.ShapeDtypeStruct((w_all.shape[0], N_PAD, D), jnp.float32),
    )(x_pad, w_all)


NBUF = 2
C0 = 64
C1 = 16
ALLOC_CHUNKS = NS * C0 + (NS - 1) * C1 + C0


def _sc_body(table_hbm, zero_hbm, gidx_hbm, dst_hbm, out_hbm,
             gidx_v, dst_v, rows0, rows1, acc_sh, sem0, sem1):
    rows_b = (rows0, rows1)
    sem_b = (sem0, sem1)
    cid = lax.axis_index("c")
    sid = lax.axis_index("s")
    rows_sl = pl.ds(sid * ROWS_PER_TILE, ROWS_PER_TILE)

    @pl.when(cid == 0)
    def _():
        init_base = NREL * N_PAD + sid * ROWS_PER_TILE
        pltpu.sync_copy(table_hbm.at[pl.ds(init_base, ROWS_PER_TILE)],
                        acc_sh.at[rows_sl])

    @pl.when(cid == 1)
    def _():
        pltpu.sync_copy(zero_hbm.at[rows_sl], acc_sh.at[rows_sl])

    plsc.subcore_barrier()

    nch = jnp.where(cid == 0, C0, C1)
    base = pl.multiple_of(jnp.where(cid == 0, sid * C0, NS * C0 + sid * C1), 8)

    pltpu.sync_copy(gidx_hbm.at[pl.ds(base, C0)], gidx_v)
    pltpu.sync_copy(dst_hbm.at[pl.ds(base, C0)], dst_v)

    def _grp(g, _):
        descs = []
        for b in range(NBUF):
            c = NBUF * g + b
            descs.append(pltpu.async_copy(
                table_hbm.at[gidx_v.at[c]], rows_b[b], sem_b[b]))
        for b in range(NBUF):
            c = NBUF * g + b
            descs[b].wait()
            pltpu.sync_copy(rows_b[b], acc_sh.at[dst_v.at[c]], add=True)
        return 0
    lax.fori_loop(0, nch // NBUF, _grp, 0)

    plsc.subcore_barrier()
    pltpu.sync_copy(acc_sh.at[rows_sl], out_hbm.at[cid, rows_sl])


_sc_scatter = functools.partial(
    pl.kernel,
    out_type=jax.ShapeDtypeStruct((NC, N_PAD, D), jnp.float32),
    mesh=plsc.VectorSubcoreMesh(core_axis_name="c", subcore_axis_name="s",
                                num_cores=NC, num_subcores=NS),
    scratch_types=[
        pltpu.VMEM((C0, CHUNK), jnp.int32),
        pltpu.VMEM((C0, CHUNK), jnp.int32),
        pltpu.VMEM((CHUNK, D), jnp.float32),
        pltpu.VMEM((CHUNK, D), jnp.float32),
        pltpu.VMEM_SHARED((N_PAD, D), jnp.float32),
        pltpu.SemaphoreType.DMA,
        pltpu.SemaphoreType.DMA,
    ],
)(_sc_body)


def _combine_body(p_ref, o_ref):
    o_ref[...] = jnp.maximum(p_ref[0] + p_ref[1], 0.0)


def _combine(partials, n):
    blk = n // 5
    return pl.pallas_call(
        _combine_body,
        grid=(5,),
        in_specs=[pl.BlockSpec((NC, blk, D), lambda i: (0, i, 0))],
        out_specs=pl.BlockSpec((blk, D), lambda i: (i, 0)),
        out_shape=jax.ShapeDtypeStruct((n, D), jnp.float32),
    )(partials)


def kernel(x, weight, self_loop_w, edge_index, edge_type):
    n = x.shape[0]
    ne = edge_type.shape[0]
    x_pad = jnp.pad(x, ((0, N_PAD - n), (0, 0)))
    w_all = jnp.concatenate([weight, self_loop_w.T[None]], axis=0)
    table = _matmul(x_pad, w_all).reshape(w_all.shape[0] * N_PAD, D)

    pad = ALLOC_CHUNKS * CHUNK - ne
    gidx = edge_type * N_PAD + edge_index[0]
    gidx_p = jnp.pad(gidx, (0, pad)).reshape(ALLOC_CHUNKS, CHUNK)
    dst_p = jnp.pad(edge_index[1], (0, pad),
                    constant_values=n).reshape(ALLOC_CHUNKS, CHUNK)

    zero = jnp.zeros((N_PAD, D), jnp.float32)
    partials = _sc_scatter(table, zero, gidx_p, dst_p)
    return _combine(partials, n)

# --- scband reference (transcript-rebuilt; emitter-appended) ---
"""Pipeline reference for scband-rgcnlayer-80831284511450 (READ-ONLY COPY).

The authoritative reference and input builder live on the scoring server;
editing this copy changes nothing except your own understanding.
"""

import jax, jax.numpy as jnp
import numpy as np

N_NODES = 10000
N_EDGES = 160000
IN_DIM = 128
OUT_DIM = 128
NUM_RELATIONS = 8


def setup_inputs(seed: int = 0) -> dict:
    key = jax.random.key(seed)
    k1, k2, k3, k4, k5 = jax.random.split(key, 5)
    x = jax.random.normal(k1, (N_NODES, IN_DIM), dtype=jnp.float32)
    edge_index = jax.random.randint(k2, (2, N_EDGES), 0, N_NODES, dtype=jnp.int32)
    edge_type = jax.random.randint(k3, (N_EDGES,), 0, NUM_RELATIONS, dtype=jnp.int32)
    # xavier_uniform for weight [R, in, out]: gain * sqrt(6/(fan_in+fan_out))
    a_w = float(np.sqrt(6.0 / (IN_DIM + OUT_DIM)))
    weight = jax.random.uniform(k4, (NUM_RELATIONS, IN_DIM, OUT_DIM), minval=-a_w, maxval=a_w, dtype=jnp.float32)
    # nn.Linear weight shape is (out_dim, in_dim); xavier_uniform on that shape
    a_s = float(np.sqrt(6.0 / (OUT_DIM + IN_DIM)))
    self_loop_w = jax.random.uniform(k5, (OUT_DIM, IN_DIM), minval=-a_s, maxval=a_s, dtype=jnp.float32)
    return {"x": x, "weight": weight, "self_loop_w": self_loop_w, "edge_index": edge_index, "edge_type": edge_type}


def reference(x, weight, self_loop_w, edge_index, edge_type):
    num_nodes = x.shape[0]
    src = edge_index[0]
    dst = edge_index[1]
    out = jnp.zeros((num_nodes, weight.shape[2]), dtype=x.dtype)
    for r in range(NUM_RELATIONS):
        mask = (edge_type == r).astype(x.dtype)
        # (x @ w_r)[src_r] == x[src_r] @ w_r ; mask zeroes out edges not of relation r
        xw = x @ weight[r]
        msg = xw[src] * mask[:, None]
        out = out + jax.ops.segment_sum(msg, dst, num_segments=num_nodes)
    out = out + x @ self_loop_w.T
    return jax.nn.relu(out)

if __name__ == "__main__":
    import jax
    _d = setup_inputs()
    print(jax.jit(kernel)(*tuple(_d.values())))

</pallas_src>

<mosaic_0001>
#map = affine_map<(d0, d1) -> (0, 0)>
#map1 = affine_map<(d0, d1) -> (0, 0, 0)>
module attributes {stable_mosaic.version = 14 : i64} {
  func.func @_sc_body(%arg0: i32, %arg1: i32, %arg2: memref<91008x128xf32, #tpu.memory_space<hbm>>, %arg3: memref<10112x128xf32, #tpu.memory_space<hbm>>, %arg4: memref<1328x128xi32, #tpu.memory_space<hbm>>, %arg5: memref<1328x128xi32, #tpu.memory_space<hbm>>, %arg6: memref<2x10112x128xf32, #tpu.memory_space<hbm>>, %arg7: memref<64x128xi32, #tpu.memory_space<vmem>>, %arg8: memref<64x128xi32, #tpu.memory_space<vmem>>, %arg9: memref<128x128xf32, #tpu.memory_space<vmem>>, %arg10: memref<128x128xf32, #tpu.memory_space<vmem>>, %arg11: memref<10112x128xf32, #tpu.memory_space<vmem_shared>>, %arg12: memref<!tpu.dma_semaphore, #tpu.memory_space<semaphore_mem>>, %arg13: memref<!tpu.dma_semaphore, #tpu.memory_space<semaphore_mem>>) attributes {dimension_semantics = [#tpu.dimension_semantics<core_parallel>, #tpu.dimension_semantics<subcore_parallel>], iteration_bounds = array<i64: 2, 16>, scalar_prefetch = 0 : i64, scratch_operands = 7 : i64, tpu.core_type = #tpu.core_type<sc_vector_subcore>, window_params = [{transform_indices = #map}, {transform_indices = #map}, {transform_indices = #map}, {transform_indices = #map}, {transform_indices = #map1}]} {
    %mul3A = arith.constant 632 : i32
    %mul3A_0 = arith.muli %arg1, %mul3A : i32
    %eq3A = arith.constant 0 : i32
    %eq3A_1 = arith.cmpi eq, %arg0, %eq3A : i32
    %convert_element_type3A = arith.extui %eq3A_1 : i1 to i32
    %cond3A = arith.constant 0 : i32
    %cond3A_2 = arith.cmpi ne, %convert_element_type3A, %cond3A : i32
    scf.if %cond3A_2 {
      %mul3A_49 = arith.constant 632 : i32
      %mul3A_50 = arith.muli %arg1, %mul3A_49 : i32
      %add3A_51 = arith.constant 80896 : i32
      %add3A_52 = arith.addi %add3A_51, %mul3A_50 : i32
      "tpu.region"() ({
        %run_scoped3A = tpu.sem_alloc : memref<!tpu.dma_semaphore, #tpu.memory_space<semaphore_mem>>
        %dma_start3A = arith.constant 0 : i32
        %dma_start3A_53 = tpu.memref_slice %arg11[%mul3A_0, %dma_start3A] : memref<10112x128xf32, #tpu.memory_space<vmem_shared>> -> memref<632x128xf32, #tpu.memory_space<vmem_shared>>
        %dma_start3A_54 = arith.constant 0 : i32
        %dma_start3A_55 = tpu.memref_slice %arg2[%add3A_52, %dma_start3A_54] : memref<91008x128xf32, #tpu.memory_space<hbm>> -> memref<632x128xf32, #tpu.memory_space<hbm>>
        tpu.enqueue_dma source(%dma_start3A_55 : memref<632x128xf32, #tpu.memory_space<hbm>>) target(%dma_start3A_53 : memref<632x128xf32, #tpu.memory_space<vmem_shared>>) target_semaphore(%run_scoped3A : memref<!tpu.dma_semaphore, #tpu.memory_space<semaphore_mem>>)
        %dma_wait3A = arith.constant 0 : i32
        %dma_wait3A_56 = tpu.memref_slice %arg11[%mul3A_0, %dma_wait3A] : memref<10112x128xf32, #tpu.memory_space<vmem_shared>> -> memref<632x128xf32, #tpu.memory_space<vmem_shared>>
        %dma_wait3A_57 = arith.constant 0 : i32
        %dma_wait3A_58 = tpu.memref_slice %arg2[%add3A_52, %dma_wait3A_57] : memref<91008x128xf32, #tpu.memory_space<hbm>> -> memref<632x128xf32, #tpu.memory_space<hbm>>
        tpu.wait_dma2 semaphore(%run_scoped3A : memref<!tpu.dma_semaphore, #tpu.memory_space<semaphore_mem>>) src(%dma_wait3A_58 : memref<632x128xf32, #tpu.memory_space<hbm>>) dst(%dma_wait3A_56 : memref<632x128xf32, #tpu.memory_space<vmem_shared>>)
        tpu.yield
      }) : () -> ()
    } else {
    }
    %eq3A_3 = arith.constant 1 : i32
    %eq3A_4 = arith.cmpi eq, %arg0, %eq3A_3 : i32
    %convert_element_type3A_5 = arith.extui %eq3A_4 : i1 to i32
    %cond3A_6 = arith.constant 0 : i32
    %cond3A_7 = arith.cmpi ne, %convert_element_type3A_5, %cond3A_6 : i32
    scf.if %cond3A_7 {
      "tpu.region"() ({
        %run_scoped3A = tpu.sem_alloc : memref<!tpu.dma_semaphore, #tpu.memory_space<semaphore_mem>>
        %dma_start3A = arith.constant 0 : i32
        %dma_start3A_49 = tpu.memref_slice %arg11[%mul3A_0, %dma_start3A] : memref<10112x128xf32, #tpu.memory_space<vmem_shared>> -> memref<632x128xf32, #tpu.memory_space<vmem_shared>>
        %dma_start3A_50 = arith.constant 0 : i32
        %dma_start3A_51 = tpu.memref_slice %arg3[%mul3A_0, %dma_start3A_50] : memref<10112x128xf32, #tpu.memory_space<hbm>> -> memref<632x128xf32, #tpu.memory_space<hbm>>
        tpu.enqueue_dma source(%dma_start3A_51 : memref<632x128xf32, #tpu.memory_space<hbm>>) target(%dma_start3A_49 : memref<632x128xf32, #tpu.memory_space<vmem_shared>>) target_semaphore(%run_scoped3A : memref<!tpu.dma_semaphore, #tpu.memory_space<semaphore_mem>>)
        %dma_wait3A = arith.constant 0 : i32
        %dma_wait3A_52 = tpu.memref_slice %arg11[%mul3A_0, %dma_wait3A] : memref<10112x128xf32, #tpu.memory_space<vmem_shared>> -> memref<632x128xf32, #tpu.memory_space<vmem_shared>>
        %dma_wait3A_53 = arith.constant 0 : i32
        %dma_wait3A_54 = tpu.memref_slice %arg3[%mul3A_0, %dma_wait3A_53] : memref<10112x128xf32, #tpu.memory_space<hbm>> -> memref<632x128xf32, #tpu.memory_space<hbm>>
        tpu.wait_dma2 semaphore(%run_scoped3A : memref<!tpu.dma_semaphore, #tpu.memory_space<semaphore_mem>>) src(%dma_wait3A_54 : memref<632x128xf32, #tpu.memory_space<hbm>>) dst(%dma_wait3A_52 : memref<632x128xf32, #tpu.memory_space<vmem_shared>>)
        tpu.yield
      }) : () -> ()
    } else {
    }
    %barrier3A = arith.constant 0 : index
    tpu.barrier barrier_id(%barrier3A)
    %eq3A_8 = arith.constant 0 : i32
    %eq3A_9 = arith.cmpi eq, %arg0, %eq3A_8 : i32
    %jit3A = arith.constant 64 : i32
    %jit3A_10 = arith.constant 16 : i32
    %select_n3A = arith.select %eq3A_9, %jit3A, %jit3A_10 : i32
    %eq3A_11 = arith.constant 0 : i32
    %eq3A_12 = arith.cmpi eq, %arg0, %eq3A_11 : i32
    %mul3A_13 = arith.constant 64 : i32
    %mul3A_14 = arith.muli %arg1, %mul3A_13 : i32
    %mul3A_15 = arith.constant 16 : i32
    %mul3A_16 = arith.muli %arg1, %mul3A_15 : i32
    %add3A = arith.constant 1024 : i32
    %add3A_17 = arith.addi %add3A, %mul3A_16 : i32
    %select_n3A_18 = arith.select %eq3A_12, %mul3A_14, %add3A_17 : i32
    %multiple_of3A = tpu.assume_multiple %select_n3A_18, 8 : i32
    "tpu.region"() ({
      %run_scoped3A = tpu.sem_alloc : memref<!tpu.dma_semaphore, #tpu.memory_space<semaphore_mem>>
      %dma_start3A = arith.constant 0 : i32
      %dma_start3A_49 = tpu.memref_slice %arg4[%multiple_of3A, %dma_start3A] : memref<1328x128xi32, #tpu.memory_space<hbm>> -> memref<64x128xi32, #tpu.memory_space<hbm>>
      %dma_start3A_50 = arith.constant 0 : i32
      %dma_start3A_51 = tpu.memref_slice %arg4[%multiple_of3A, %dma_start3A_50] : memref<1328x128xi32, #tpu.memory_space<hbm>> -> memref<64x128xi32, #tpu.memory_space<hbm>>
      tpu.enqueue_dma source(%dma_start3A_51 : memref<64x128xi32, #tpu.memory_space<hbm>>) target(%arg7 : memref<64x128xi32, #tpu.memory_space<vmem>>) target_semaphore(%run_scoped3A : memref<!tpu.dma_semaphore, #tpu.memory_space<semaphore_mem>>)
      %dma_wait3A = arith.constant 0 : i32
      %dma_wait3A_52 = tpu.memref_slice %arg4[%multiple_of3A, %dma_wait3A] : memref<1328x128xi32, #tpu.memory_space<hbm>> -> memref<64x128xi32, #tpu.memory_space<hbm>>
      %dma_wait3A_53 = arith.constant 0 : i32
      %dma_wait3A_54 = tpu.memref_slice %arg4[%multiple_of3A, %dma_wait3A_53] : memref<1328x128xi32, #tpu.memory_space<hbm>> -> memref<64x128xi32, #tpu.memory_space<hbm>>
      tpu.wait_dma2 semaphore(%run_scoped3A : memref<!tpu.dma_semaphore, #tpu.memory_space<semaphore_mem>>) src(%dma_wait3A_54 : memref<64x128xi32, #tpu.memory_space<hbm>>) dst(%arg7 : memref<64x128xi32, #tpu.memory_space<vmem>>)
      tpu.yield
    }) : () -> ()
    "tpu.region"() ({
      %run_scoped3A = tpu.sem_alloc : memref<!tpu.dma_semaphore, #tpu.memory_space<semaphore_mem>>
      %dma_start3A = arith.constant 0 : i32
      %dma_start3A_49 = tpu.memref_slice %arg5[%multiple_of3A, %dma_start3A] : memref<1328x128xi32, #tpu.memory_space<hbm>> -> memref<64x128xi32, #tpu.memory_space<hbm>>
      %dma_start3A_50 = arith.constant 0 : i32
      %dma_start3A_51 = tpu.memref_slice %arg5[%multiple_of3A, %dma_start3A_50] : memref<1328x128xi32, #tpu.memory_space<hbm>> -> memref<64x128xi32, #tpu.memory_space<hbm>>
      tpu.enqueue_dma source(%dma_start3A_51 : memref<64x128xi32, #tpu.memory_space<hbm>>) target(%arg8 : memref<64x128xi32, #tpu.memory_space<vmem>>) target_semaphore(%run_scoped3A : memref<!tpu.dma_semaphore, #tpu.memory_space<semaphore_mem>>)
      %dma_wait3A = arith.constant 0 : i32
      %dma_wait3A_52 = tpu.memref_slice %arg5[%multiple_of3A, %dma_wait3A] : memref<1328x128xi32, #tpu.memory_space<hbm>> -> memref<64x128xi32, #tpu.memory_space<hbm>>
      %dma_wait3A_53 = arith.constant 0 : i32
      %dma_wait3A_54 = tpu.memref_slice %arg5[%multiple_of3A, %dma_wait3A_53] : memref<1328x128xi32, #tpu.memory_space<hbm>> -> memref<64x128xi32, #tpu.memory_space<hbm>>
      tpu.wait_dma2 semaphore(%run_scoped3A : memref<!tpu.dma_semaphore, #tpu.memory_space<semaphore_mem>>) src(%dma_wait3A_54 : memref<64x128xi32, #tpu.memory_space<hbm>>) dst(%arg8 : memref<64x128xi32, #tpu.memory_space<vmem>>)
      tpu.yield
    }) : () -> ()
    %jit3A_19 = arith.constant 2 : i32
    %div3A = arith.divsi %select_n3A, %jit3A_19 : i32
    %sign3A = arith.constant 0 : i32
    %sign3A_20 = arith.cmpi sgt, %select_n3A, %sign3A : i32
    %sign3A_21 = arith.extui %sign3A_20 : i1 to i32
    %sign3A_22 = arith.constant 0 : i32
    %sign3A_23 = arith.cmpi slt, %select_n3A, %sign3A_22 : i32
    %sign3A_24 = arith.extui %sign3A_23 : i1 to i32
    %sign3A_25 = arith.subi %sign3A_21, %sign3A_24 : i32
    %sign3A_26 = arith.constant 0 : i32
    %sign3A_27 = arith.cmpi sgt, %jit3A_19, %sign3A_26 : i32
    %sign3A_28 = arith.extui %sign3A_27 : i1 to i32
    %sign3A_29 = arith.constant 0 : i32
    %sign3A_30 = arith.cmpi slt, %jit3A_19, %sign3A_29 : i32
    %sign3A_31 = arith.extui %sign3A_30 : i1 to i32
    %sign3A_32 = arith.subi %sign3A_28, %sign3A_31 : i32
    %ne3A = arith.cmpi ne, %sign3A_25, %sign3A_32 : i32
    %rem3A = arith.remsi %select_n3A, %jit3A_19 : i32
    %ne3A_33 = arith.constant 0 : i32
    %ne3A_34 = arith.cmpi ne, %rem3A, %ne3A_33 : i32
    %and3A = arith.andi %ne3A, %ne3A_34 : i1
    %sub3A = arith.constant 1 : i32
    %sub3A_35 = arith.subi %div3A, %sub3A : i32
    %select_n3A_36 = arith.select %and3A, %sub3A_35, %div3A : i32
    %while3A = arith.constant 0 : i32
    %while3A_37 = arith.constant 0 : i32
    %while3A_38 = arith.subi %select_n3A_36, %while3A : i32
    %while3A_39 = arith.addi %while3A, %while3A_38 : i32
    %while3A_40 = arith.constant 1 : i32
    %while3A_41 = arith.divsi %while3A_38, %while3A_40 : i32
    %while3A_42 = arith.muli %while3A_41, %while3A_40 : i32
    %while3A_43 = arith.addi %while3A, %while3A_42 : i32
    %while3A_44 = arith.constant 1 : i32
    %while3A_45 = scf.for %while3A_49 = %while3A to %while3A_43 step %while3A_44 iter_args(%while3A_50 = %while3A_37) -> (i32)  : i32 {
      %mul3A_51 = arith.constant 2 : i32
      %mul3A_52 = arith.muli %mul3A_51, %while3A_49 : i32
      %add3A_53 = arith.constant 0 : i32
      %add3A_54 = arith.addi %mul3A_52, %add3A_53 : i32
      %dma_start3A = arith.constant 0 : i32
      %dma_start3A_55 = tpu.memref_slice %arg7[%add3A_54, %dma_start3A] : memref<64x128xi32, #tpu.memory_space<vmem>> -> memref<1x128xi32, #tpu.memory_space<vmem>>
      %dma_start3A_56 = tpu.memref_squeeze %dma_start3A_55 : memref<1x128xi32, #tpu.memory_space<vmem>> -> memref<128xi32, #tpu.memory_space<vmem>>
      %dma_start3A_57 = arith.constant 0 : i32
      %dma_start3A_58 = arith.constant 0 : i32
      %dma_start3A_59 = tpu.memref_slice %arg2[%dma_start3A_57, %dma_start3A_58] : memref<91008x128xf32, #tpu.memory_space<hbm>> -> memref<91008x128xf32, #tpu.memory_space<hbm>>
      tpu.enqueue_indirect_dma source(%dma_start3A_59 : memref<91008x128xf32, #tpu.memory_space<hbm>>) target(%arg9 : memref<128x128xf32, #tpu.memory_space<vmem>>) offsets(%dma_start3A_56 : memref<128xi32, #tpu.memory_space<vmem>>) semaphore(%arg12 : memref<!tpu.dma_semaphore, #tpu.memory_space<semaphore_mem>>)
      %mul3A_60 = arith.constant 2 : i32
      %mul3A_61 = arith.muli %mul3A_60, %while3A_49 : i32
      %add3A_62 = arith.constant 1 : i32
      %add3A_63 = arith.addi %mul3A_61, %add3A_62 : i32
      %dma_start3A_64 = arith.constant 0 : i32
      %dma_start3A_65 = tpu.memref_slice %arg7[%add3A_63, %dma_start3A_64] : memref<64x128xi32, #tpu.memory_space<vmem>> -> memref<1x128xi32, #tpu.memory_space<vmem>>
      %dma_start3A_66 = tpu.memref_squeeze %dma_start3A_65 : memref<1x128xi32, #tpu.memory_space<vmem>> -> memref<128xi32, #tpu.memory_space<vmem>>
      %dma_start3A_67 = arith.constant 0 : i32
      %dma_start3A_68 = arith.constant 0 : i32
      %dma_start3A_69 = tpu.memref_slice %arg2[%dma_start3A_67, %dma_start3A_68] : memref<91008x128xf32, #tpu.memory_space<hbm>> -> memref<91008x128xf32, #tpu.memory_space<hbm>>
      tpu.enqueue_indirect_dma source(%dma_start3A_69 : memref<91008x128xf32, #tpu.memory_space<hbm>>) target(%arg10 : memref<128x128xf32, #tpu.memory_space<vmem>>) offsets(%dma_start3A_66 : memref<128xi32, #tpu.memory_space<vmem>>) semaphore(%arg13 : memref<!tpu.dma_semaphore, #tpu.memory_space<semaphore_mem>>)
      %mul3A_70 = arith.constant 2 : i32
      %mul3A_71 = arith.muli %mul3A_70, %while3A_49 : i32
      %add3A_72 = arith.constant 0 : i32
      %add3A_73 = arith.addi %mul3A_71, %add3A_72 : i32
      %dma_wait3A = arith.constant 0 : i32
      %dma_wait3A_74 = tpu.memref_slice %arg7[%add3A_54, %dma_wait3A] : memref<64x128xi32, #tpu.memory_space<vmem>> -> memref<1x128xi32, #tpu.memory_space<vmem>>
      %dma_wait3A_75 = tpu.memref_squeeze %dma_wait3A_74 : memref<1x128xi32, #tpu.memory_space<vmem>> -> memref<128xi32, #tpu.memory_space<vmem>>
      %dma_wait3A_76 = arith.constant 0 : i32
      %dma_wait3A_77 = arith.constant 0 : i32
      %dma_wait3A_78 = tpu.memref_slice %arg2[%dma_wait3A_76, %dma_wait3A_77] : memref<91008x128xf32, #tpu.memory_space<hbm>> -> memref<91008x128xf32, #tpu.memory_space<hbm>>
      tpu.wait_indirect_dma semaphore(%arg12 : memref<!tpu.dma_semaphore, #tpu.memory_space<semaphore_mem>>) src(%dma_wait3A_78 : memref<91008x128xf32, #tpu.memory_space<hbm>>) dst(%arg9 : memref<128x128xf32, #tpu.memory_space<vmem>>)
      "tpu.region"() ({
        %run_scoped3A = tpu.sem_alloc : memref<!tpu.dma_semaphore, #tpu.memory_space<semaphore_mem>>
        %dma_start3A_90 = arith.constant 0 : i32
        %dma_start3A_91 = tpu.memref_slice %arg8[%add3A_73, %dma_start3A_90] : memref<64x128xi32, #tpu.memory_space<vmem>> -> memref<1x128xi32, #tpu.memory_space<vmem>>
        %dma_start3A_92 = tpu.memref_squeeze %dma_start3A_91 : memref<1x128xi32, #tpu.memory_space<vmem>> -> memref<128xi32, #tpu.memory_space<vmem>>
        %dma_start3A_93 = arith.constant 0 : i32
        %dma_start3A_94 = arith.constant 0 : i32
        %dma_start3A_95 = tpu.memref_slice %arg11[%dma_start3A_93, %dma_start3A_94] : memref<10112x128xf32, #tpu.memory_space<vmem_shared>> -> memref<10112x128xf32, #tpu.memory_space<vmem_shared>>
        tpu.enqueue_indirect_dma source(%arg9 : memref<128x128xf32, #tpu.memory_space<vmem>>) target(%dma_start3A_95 : memref<10112x128xf32, #tpu.memory_space<vmem_shared>>) offsets(%dma_start3A_92 : memref<128xi32, #tpu.memory_space<vmem>>) semaphore(%run_scoped3A : memref<!tpu.dma_semaphore, #tpu.memory_space<semaphore_mem>>) {add = true}
        %dma_wait3A_96 = arith.constant 0 : i32
        %dma_wait3A_97 = tpu.memref_slice %arg8[%add3A_73, %dma_wait3A_96] : memref<64x128xi32, #tpu.memory_space<vmem>> -> memref<1x128xi32, #tpu.memory_space<vmem>>
        %dma_wait3A_98 = tpu.memref_squeeze %dma_wait3A_97 : memref<1x128xi32, #tpu.memory_space<vmem>> -> memref<128xi32, #tpu.memory_space<vmem>>
        %dma_wait3A_99 = arith.constant 0 : i32
        %dma_wait3A_100 = arith.constant 0 : i32
        %dma_wait3A_101 = tpu.memref_slice %arg11[%dma_wait3A_99, %dma_wait3A_100] : memref<10112x128xf32, #tpu.memory_space<vmem_shared>> -> memref<10112x128xf32, #tpu.memory_space<vmem_shared>>
        tpu.wait_indirect_dma semaphore(%run_scoped3A : memref<!tpu.dma_semaphore, #tpu.memory_space<semaphore_mem>>) src(%arg9 : memref<128x128xf32, #tpu.memory_space<vmem>>) dst(%dma_wait3A_101 : memref<10112x128xf32, #tpu.memory_space<vmem_shared>>)
        tpu.yield
      }) : () -> ()
      %mul3A_79 = arith.constant 2 : i32
      %mul3A_80 = arith.muli %mul3A_79, %while3A_49 : i32
      %add3A_81 = arith.constant 1 : i32
      %add3A_82 = arith.addi %mul3A_80, %add3A_81 : i32
      %dma_wait3A_83 = arith.constant 0 : i32
      %dma_wait3A_84 = tpu.memref_slice %arg7[%add3A_63, %dma_wait3A_83] : memref<64x128xi32, #tpu.memory_space<vmem>> -> memref<1x128xi32, #tpu.memory_space<vmem>>
      %dma_wait3A_85 = tpu.memref_squeeze %dma_wait3A_84 : memref<1x128xi32, #tpu.memory_space<vmem>> -> memref<128xi32, #tpu.memory_space<vmem>>
      %dma_wait3A_86 = arith.constant 0 : i32
      %dma_wait3A_87 = arith.constant 0 : i32
      %dma_wait3A_88 = tpu.memref_slice %arg2[%dma_wait3A_86, %dma_wait3A_87] : memref<91008x128xf32, #tpu.memory_space<hbm>> -> memref<91008x128xf32, #tpu.memory_space<hbm>>
      tpu.wait_indirect_dma semaphore(%arg13 : memref<!tpu.dma_semaphore, #tpu.memory_space<semaphore_mem>>) src(%dma_wait3A_88 : memref<91008x128xf32, #tpu.memory_space<hbm>>) dst(%arg10 : memref<128x128xf32, #tpu.memory_space<vmem>>)
      "tpu.region"() ({
        %run_scoped3A = tpu.sem_alloc : memref<!tpu.dma_semaphore, #tpu.memory_space<semaphore_mem>>
        %dma_start3A_90 = arith.constant 0 : i32
        %dma_start3A_91 = tpu.memref_slice %arg8[%add3A_82, %dma_start3A_90] : memref<64x128xi32, #tpu.memory_space<vmem>> -> memref<1x128xi32, #tpu.memory_space<vmem>>
        %dma_start3A_92 = tpu.memref_squeeze %dma_start3A_91 : memref<1x128xi32, #tpu.memory_space<vmem>> -> memref<128xi32, #tpu.memory_space<vmem>>
        %dma_start3A_93 = arith.constant 0 : i32
        %dma_start3A_94 = arith.constant 0 : i32
        %dma_start3A_95 = tpu.memref_slice %arg11[%dma_start3A_93, %dma_start3A_94] : memref<10112x128xf32, #tpu.memory_space<vmem_shared>> -> memref<10112x128xf32, #tpu.memory_space<vmem_shared>>
        tpu.enqueue_indirect_dma source(%arg10 : memref<128x128xf32, #tpu.memory_space<vmem>>) target(%dma_start3A_95 : memref<10112x128xf32, #tpu.memory_space<vmem_shared>>) offsets(%dma_start3A_92 : memref<128xi32, #tpu.memory_space<vmem>>) semaphore(%run_scoped3A : memref<!tpu.dma_semaphore, #tpu.memory_space<semaphore_mem>>) {add = true}
        %dma_wait3A_96 = arith.constant 0 : i32
        %dma_wait3A_97 = tpu.memref_slice %arg8[%add3A_82, %dma_wait3A_96] : memref<64x128xi32, #tpu.memory_space<vmem>> -> memref<1x128xi32, #tpu.memory_space<vmem>>
        %dma_wait3A_98 = tpu.memref_squeeze %dma_wait3A_97 : memref<1x128xi32, #tpu.memory_space<vmem>> -> memref<128xi32, #tpu.memory_space<vmem>>
        %dma_wait3A_99 = arith.constant 0 : i32
        %dma_wait3A_100 = arith.constant 0 : i32
        %dma_wait3A_101 = tpu.memref_slice %arg11[%dma_wait3A_99, %dma_wait3A_100] : memref<10112x128xf32, #tpu.memory_space<vmem_shared>> -> memref<10112x128xf32, #tpu.memory_space<vmem_shared>>
        tpu.wait_indirect_dma semaphore(%run_scoped3A : memref<!tpu.dma_semaphore, #tpu.memory_space<semaphore_mem>>) src(%arg10 : memref<128x128xf32, #tpu.memory_space<vmem>>) dst(%dma_wait3A_101 : memref<10112x128xf32, #tpu.memory_space<vmem_shared>>)
        tpu.yield
      }) : () -> ()
      %while3A_89 = arith.constant 0 : i32
      scf.yield %while3A_89 : i32
    }
    %while3A_46 = arith.constant 1 : i32
    %while3A_47 = scf.for %while3A_49 = %while3A_43 to %while3A_39 step %while3A_46 iter_args(%while3A_50 = %while3A_45) -> (i32)  : i32 {
      %mul3A_51 = arith.constant 2 : i32
      %mul3A_52 = arith.muli %mul3A_51, %while3A_49 : i32
      %add3A_53 = arith.constant 0 : i32
      %add3A_54 = arith.addi %mul3A_52, %add3A_53 : i32
      %dma_start3A = arith.constant 0 : i32
      %dma_start3A_55 = tpu.memref_slice %arg7[%add3A_54, %dma_start3A] : memref<64x128xi32, #tpu.memory_space<vmem>> -> memref<1x128xi32, #tpu.memory_space<vmem>>
      %dma_start3A_56 = tpu.memref_squeeze %dma_start3A_55 : memref<1x128xi32, #tpu.memory_space<vmem>> -> memref<128xi32, #tpu.memory_space<vmem>>
      %dma_start3A_57 = arith.constant 0 : i32
      %dma_start3A_58 = arith.constant 0 : i32
      %dma_start3A_59 = tpu.memref_slice %arg2[%dma_start3A_57, %dma_start3A_58] : memref<91008x128xf32, #tpu.memory_space<hbm>> -> memref<91008x128xf32, #tpu.memory_space<hbm>>
      tpu.enqueue_indirect_dma source(%dma_start3A_59 : memref<91008x128xf32, #tpu.memory_space<hbm>>) target(%arg9 : memref<128x128xf32, #tpu.memory_space<vmem>>) offsets(%dma_start3A_56 : memref<128xi32, #tpu.memory_space<vmem>>) semaphore(%arg12 : memref<!tpu.dma_semaphore, #tpu.memory_space<semaphore_mem>>)
      %mul3A_60 = arith.constant 2 : i32
      %mul3A_61 = arith.muli %mul3A_60, %while3A_49 : i32
      %add3A_62 = arith.constant 1 : i32
      %add3A_63 = arith.addi %mul3A_61, %add3A_62 : i32
      %dma_start3A_64 = arith.constant 0 : i32
      %dma_start3A_65 = tpu.memref_slice %arg7[%add3A_63, %dma_start3A_64] : memref<64x128xi32, #tpu.memory_space<vmem>> -> memref<1x128xi32, #tpu.memory_space<vmem>>
      %dma_start3A_66 = tpu.memref_squeeze %dma_start3A_65 : memref<1x128xi32, #tpu.memory_space<vmem>> -> memref<128xi32, #tpu.memory_space<vmem>>
      %dma_start3A_67 = arith.constant 0 : i32
      %dma_start3A_68 = arith.constant 0 : i32
      %dma_start3A_69 = tpu.memref_slice %arg2[%dma_start3A_67, %dma_start3A_68] : memref<91008x128xf32, #tpu.memory_space<hbm>> -> memref<91008x128xf32, #tpu.memory_space<hbm>>
      tpu.enqueue_indirect_dma source(%dma_start3A_69 : memref<91008x128xf32, #tpu.memory_space<hbm>>) target(%arg10 : memref<128x128xf32, #tpu.memory_space<vmem>>) offsets(%dma_start3A_66 : memref<128xi32, #tpu.memory_space<vmem>>) semaphore(%arg13 : memref<!tpu.dma_semaphore, #tpu.memory_space<semaphore_mem>>)
      %mul3A_70 = arith.constant 2 : i32
      %mul3A_71 = arith.muli %mul3A_70, %while3A_49 : i32
      %add3A_72 = arith.constant 0 : i32
      %add3A_73 = arith.addi %mul3A_71, %add3A_72 : i32
      %dma_wait3A = arith.constant 0 : i32
      %dma_wait3A_74 = tpu.memref_slice %arg7[%add3A_54, %dma_wait3A] : memref<64x128xi32, #tpu.memory_space<vmem>> -> memref<1x128xi32, #tpu.memory_space<vmem>>
      %dma_wait3A_75 = tpu.memref_squeeze %dma_wait3A_74 : memref<1x128xi32, #tpu.memory_space<vmem>> -> memref<128xi32, #tpu.memory_space<vmem>>
      %dma_wait3A_76 = arith.constant 0 : i32
      %dma_wait3A_77 = arith.constant 0 : i32
      %dma_wait3A_78 = tpu.memref_slice %arg2[%dma_wait3A_76, %dma_wait3A_77] : memref<91008x128xf32, #tpu.memory_space<hbm>> -> memref<91008x128xf32, #tpu.memory_space<hbm>>
      tpu.wait_indirect_dma semaphore(%arg12 : memref<!tpu.dma_semaphore, #tpu.memory_space<semaphore_mem>>) src(%dma_wait3A_78 : memref<91008x128xf32, #tpu.memory_space<hbm>>) dst(%arg9 : memref<128x128xf32, #tpu.memory_space<vmem>>)
      "tpu.region"() ({
        %run_scoped3A = tpu.sem_alloc : memref<!tpu.dma_semaphore, #tpu.memory_space<semaphore_mem>>
        %dma_start3A_90 = arith.constant 0 : i32
        %dma_start3A_91 = tpu.memref_slice %arg8[%add3A_73, %dma_start3A_90] : memref<64x128xi32, #tpu.memory_space<vmem>> -> memref<1x128xi32, #tpu.memory_space<vmem>>
        %dma_start3A_92 = tpu.memref_squeeze %dma_start3A_91 : memref<1x128xi32, #tpu.memory_space<vmem>> -> memref<128xi32, #tpu.memory_space<vmem>>
        %dma_start3A_93 = arith.constant 0 : i32
        %dma_start3A_94 = arith.constant 0 : i32
        %dma_start3A_95 = tpu.memref_slice %arg11[%dma_start3A_93, %dma_start3A_94] : memref<10112x128xf32, #tpu.memory_space<vmem_shared>> -> memref<10112x128xf32, #tpu.memory_space<vmem_shared>>
        tpu.enqueue_indirect_dma source(%arg9 : memref<128x128xf32, #tpu.memory_space<vmem>>) target(%dma_start3A_95 : memref<10112x128xf32, #tpu.memory_space<vmem_shared>>) offsets(%dma_start3A_92 : memref<128xi32, #tpu.memory_space<vmem>>) semaphore(%run_scoped3A : memref<!tpu.dma_semaphore, #tpu.memory_space<semaphore_mem>>) {add = true}
        %dma_wait3A_96 = arith.constant 0 : i32
        %dma_wait3A_97 = tpu.memref_slice %arg8[%add3A_73, %dma_wait3A_96] : memref<64x128xi32, #tpu.memory_space<vmem>> -> memref<1x128xi32, #tpu.memory_space<vmem>>
        %dma_wait3A_98 = tpu.memref_squeeze %dma_wait3A_97 : memref<1x128xi32, #tpu.memory_space<vmem>> -> memref<128xi32, #tpu.memory_space<vmem>>
        %dma_wait3A_99 = arith.constant 0 : i32
        %dma_wait3A_100 = arith.constant 0 : i32
        %dma_wait3A_101 = tpu.memref_slice %arg11[%dma_wait3A_99, %dma_wait3A_100] : memref<10112x128xf32, #tpu.memory_space<vmem_shared>> -> memref<10112x128xf32, #tpu.memory_space<vmem_shared>>
        tpu.wait_indirect_dma semaphore(%run_scoped3A : memref<!tpu.dma_semaphore, #tpu.memory_space<semaphore_mem>>) src(%arg9 : memref<128x128xf32, #tpu.memory_space<vmem>>) dst(%dma_wait3A_101 : memref<10112x128xf32, #tpu.memory_space<vmem_shared>>)
        tpu.yield
      }) : () -> ()
      %mul3A_79 = arith.constant 2 : i32
      %mul3A_80 = arith.muli %mul3A_79, %while3A_49 : i32
      %add3A_81 = arith.constant 1 : i32
      %add3A_82 = arith.addi %mul3A_80, %add3A_81 : i32
      %dma_wait3A_83 = arith.constant 0 : i32
      %dma_wait3A_84 = tpu.memref_slice %arg7[%add3A_63, %dma_wait3A_83] : memref<64x128xi32, #tpu.memory_space<vmem>> -> memref<1x128xi32, #tpu.memory_space<vmem>>
      %dma_wait3A_85 = tpu.memref_squeeze %dma_wait3A_84 : memref<1x128xi32, #tpu.memory_space<vmem>> -> memref<128xi32, #tpu.memory_space<vmem>>
      %dma_wait3A_86 = arith.constant 0 : i32
      %dma_wait3A_87 = arith.constant 0 : i32
      %dma_wait3A_88 = tpu.memref_slice %arg2[%dma_wait3A_86, %dma_wait3A_87] : memref<91008x128xf32, #tpu.memory_space<hbm>> -> memref<91008x128xf32, #tpu.memory_space<hbm>>
      tpu.wait_indirect_dma semaphore(%arg13 : memref<!tpu.dma_semaphore, #tpu.memory_space<semaphore_mem>>) src(%dma_wait3A_88 : memref<91008x128xf32, #tpu.memory_space<hbm>>) dst(%arg10 : memref<128x128xf32, #tpu.memory_space<vmem>>)
      "tpu.region"() ({
        %run_scoped3A = tpu.sem_alloc : memref<!tpu.dma_semaphore, #tpu.memory_space<semaphore_mem>>
        %dma_start3A_90 = arith.constant 0 : i32
        %dma_start3A_91 = tpu.memref_slice %arg8[%add3A_82, %dma_start3A_90] : memref<64x128xi32, #tpu.memory_space<vmem>> -> memref<1x128xi32, #tpu.memory_space<vmem>>
        %dma_start3A_92 = tpu.memref_squeeze %dma_start3A_91 : memref<1x128xi32, #tpu.memory_space<vmem>> -> memref<128xi32, #tpu.memory_space<vmem>>
        %dma_start3A_93 = arith.constant 0 : i32
        %dma_start3A_94 = arith.constant 0 : i32
        %dma_start3A_95 = tpu.memref_slice %arg11[%dma_start3A_93, %dma_start3A_94] : memref<10112x128xf32, #tpu.memory_space<vmem_shared>> -> memref<10112x128xf32, #tpu.memory_space<vmem_shared>>
        tpu.enqueue_indirect_dma source(%arg10 : memref<128x128xf32, #tpu.memory_space<vmem>>) target(%dma_start3A_95 : memref<10112x128xf32, #tpu.memory_space<vmem_shared>>) offsets(%dma_start3A_92 : memref<128xi32, #tpu.memory_space<vmem>>) semaphore(%run_scoped3A : memref<!tpu.dma_semaphore, #tpu.memory_space<semaphore_mem>>) {add = true}
        %dma_wait3A_96 = arith.constant 0 : i32
        %dma_wait3A_97 = tpu.memref_slice %arg8[%add3A_82, %dma_wait3A_96] : memref<64x128xi32, #tpu.memory_space<vmem>> -> memref<1x128xi32, #tpu.memory_space<vmem>>
        %dma_wait3A_98 = tpu.memref_squeeze %dma_wait3A_97 : memref<1x128xi32, #tpu.memory_space<vmem>> -> memref<128xi32, #tpu.memory_space<vmem>>
        %dma_wait3A_99 = arith.constant 0 : i32
        %dma_wait3A_100 = arith.constant 0 : i32
        %dma_wait3A_101 = tpu.memref_slice %arg11[%dma_wait3A_99, %dma_wait3A_100] : memref<10112x128xf32, #tpu.memory_space<vmem_shared>> -> memref<10112x128xf32, #tpu.memory_space<vmem_shared>>
        tpu.wait_indirect_dma semaphore(%run_scoped3A : memref<!tpu.dma_semaphore, #tpu.memory_space<semaphore_mem>>) src(%arg10 : memref<128x128xf32, #tpu.memory_space<vmem>>) dst(%dma_wait3A_101 : memref<10112x128xf32, #tpu.memory_space<vmem_shared>>)
        tpu.yield
      }) : () -> ()
      %while3A_89 = arith.constant 0 : i32
      scf.yield %while3A_89 : i32
    }
    %barrier3A_48 = arith.constant 0 : index
    tpu.barrier barrier_id(%barrier3A_48)
    "tpu.region"() ({
      %run_scoped3A = tpu.sem_alloc : memref<!tpu.dma_semaphore, #tpu.memory_space<semaphore_mem>>
      %dma_start3A = arith.constant 0 : i32
      %dma_start3A_49 = tpu.memref_slice %arg6[%arg0, %mul3A_0, %dma_start3A] : memref<2x10112x128xf32, #tpu.memory_space<hbm>> -> memref<1x632x128xf32, #tpu.memory_space<hbm>>
      %dma_start3A_50 = tpu.memref_squeeze %dma_start3A_49 : memref<1x632x128xf32, #tpu.memory_space<hbm>> -> memref<632x128xf32, #tpu.memory_space<hbm>>
      %dma_start3A_51 = arith.constant 0 : i32
      %dma_start3A_52 = tpu.memref_slice %arg11[%mul3A_0, %dma_start3A_51] : memref<10112x128xf32, #tpu.memory_space<vmem_shared>> -> memref<632x128xf32, #tpu.memory_space<vmem_shared>>
      tpu.enqueue_dma source(%dma_start3A_52 : memref<632x128xf32, #tpu.memory_space<vmem_shared>>) target(%dma_start3A_50 : memref<632x128xf32, #tpu.memory_space<hbm>>) target_semaphore(%run_scoped3A : memref<!tpu.dma_semaphore, #tpu.memory_space<semaphore_mem>>)
      %dma_wait3A = arith.constant 0 : i32
      %dma_wait3A_53 = tpu.memref_slice %arg6[%arg0, %mul3A_0, %dma_wait3A] : memref<2x10112x128xf32, #tpu.memory_space<hbm>> -> memref<1x632x128xf32, #tpu.memory_space<hbm>>
      %dma_wait3A_54 = tpu.memref_squeeze %dma_wait3A_53 : memref<1x632x128xf32, #tpu.memory_space<hbm>> -> memref<632x128xf32, #tpu.memory_space<hbm>>
      %dma_wait3A_55 = arith.constant 0 : i32
      %dma_wait3A_56 = tpu.memref_slice %arg11[%mul3A_0, %dma_wait3A_55] : memref<10112x128xf32, #tpu.memory_space<vmem_shared>> -> memref<632x128xf32, #tpu.memory_space<vmem_shared>>
      tpu.wait_dma2 semaphore(%run_scoped3A : memref<!tpu.dma_semaphore, #tpu.memory_space<semaphore_mem>>) src(%dma_wait3A_56 : memref<632x128xf32, #tpu.memory_space<vmem_shared>>) dst(%dma_wait3A_54 : memref<632x128xf32, #tpu.memory_space<hbm>>)
      tpu.yield
    }) : () -> ()
    return
  }
}

module attributes {stable_mosaic.version = 14 : i64} {
  func.func @_matmul_body(%arg0: i32, %arg1: i32, %arg2: memref<1264x128xf32, #tpu.memory_space<vmem>>, %arg3: memref<1x128x128xf32, #tpu.memory_space<vmem>>, %arg4: memref<1x1264x128xf32, #tpu.memory_space<vmem>>) attributes {dimension_semantics = [#tpu.dimension_semantics<arbitrary>, #tpu.dimension_semantics<arbitrary>], iteration_bounds = array<i64: 8, 9>, scalar_prefetch = 0 : i64, scratch_operands = 0 : i64, tpu.core_type = #tpu.core_type<tc>, window_params = [{transform_indices = @transform_0, window_bounds = array<i64: 1264, 128>}, {transform_indices = @transform_1, window_bounds = array<i64: 1, 128, 128>}, {transform_indices = @transform_2, window_bounds = array<i64: 1, 1264, 128>}]} {
    %get3A = arith.constant 0 : index
    %get3A_0 = arith.constant 0 : index
    %get3A_1 = vector.load %arg2[%get3A, %get3A_0] : memref<1264x128xf32, #tpu.memory_space<vmem>>, vector<1264x128xf32>
    %get3A_2 = arith.constant 0 : index
    %get3A_3 = arith.constant 0 : index
    %get3A_4 = arith.constant 0 : index
    %get3A_5 = vector.load %arg3[%get3A_2, %get3A_3, %get3A_4] : memref<1x128x128xf32, #tpu.memory_space<vmem>>, vector<1x128x128xf32>
    %get3A_6 = vector.shape_cast %get3A_5 : vector<1x128x128xf32> to vector<128x128xf32>
    %dot_general3A = arith.constant dense<0.000000e+00> : vector<1264x128xf32>
    %dot_general3A_7 = tpu.matmul %get3A_1, %get3A_6, %dot_general3A {dimension_numbers = #tpu.dot_dimension_numbers<[1], [0], [0], [1], [0, 0, 1, 1], [], []>, transpose_lhs_hint = false} : vector<1264x128xf32>, vector<128x128xf32>, vector<1264x128xf32> -> vector<1264x128xf32>
    %swap3A = arith.constant 0 : index
    %swap3A_8 = arith.constant 0 : index
    %swap3A_9 = arith.constant 0 : index
    %swap3A_10 = vector.load %arg4[%swap3A, %swap3A_8, %swap3A_9] : memref<1x1264x128xf32, #tpu.memory_space<vmem>>, vector<1x1264x128xf32>
    %swap3A_11 = vector.shape_cast %swap3A_10 : vector<1x1264x128xf32> to vector<1264x128xf32>
    %swap3A_12 = vector.shape_cast %dot_general3A_7 : vector<1264x128xf32> to vector<1x1264x128xf32>
    tpu.vector_store %arg4[%swap3A, %swap3A_8, %swap3A_9], %swap3A_12 {strides = array<i32>} : memref<1x1264x128xf32, #tpu.memory_space<vmem>>, vector<1x1264x128xf32>,
    return
  }
  func.func @transform_0(%arg0: i32, %arg1: i32) -> (i32, i32) {
    %c0_i32 = arith.constant 0 : i32
    %c0_i32_0 = arith.constant 0 : i32
    return %arg0, %c0_i32 : i32, i32
  }
  func.func @transform_1(%arg0: i32, %arg1: i32) -> (i32, i32, i32) {
    %c0_i32 = arith.constant 0 : i32
    %c0_i32_0 = arith.constant 0 : i32
    %c0_i32_1 = arith.constant 0 : i32
    return %arg1, %c0_i32, %c0_i32_0 : i32, i32, i32
  }
  func.func @transform_2(%arg0: i32, %arg1: i32) -> (i32, i32, i32) {
    %c0_i32 = arith.constant 0 : i32
    %c0_i32_0 = arith.constant 0 : i32
    return %arg1, %arg0, %c0_i32 : i32, i32, i32
  }
}

module attributes {stable_mosaic.version = 14 : i64} {
  func.func @_combine_body(%arg0: i32, %arg1: memref<2x2000x128xf32, #tpu.memory_space<vmem>>, %arg2: memref<2000x128xf32, #tpu.memory_space<vmem>>) attributes {dimension_semantics = [#tpu.dimension_semantics<arbitrary>], iteration_bounds = array<i64: 5>, scalar_prefetch = 0 : i64, scratch_operands = 0 : i64, tpu.core_type = #tpu.core_type<tc>, window_params = [{transform_indices = @transform_0, window_bounds = array<i64: 2, 2000, 128>}, {transform_indices = @transform_1, window_bounds = array<i64: 2000, 128>}]} {
    %get3A = arith.constant 0 : index
    %get3A_0 = arith.constant 0 : index
    %get3A_1 = arith.constant 0 : index
    %get3A_2 = vector.load %arg1[%get3A, %get3A_0, %get3A_1] : memref<2x2000x128xf32, #tpu.memory_space<vmem>>, vector<1x2000x128xf32>
    %get3A_3 = vector.shape_cast %get3A_2 : vector<1x2000x128xf32> to vector<2000x128xf32>
    %get3A_4 = arith.constant 1 : index
    %get3A_5 = arith.constant 0 : index
    %get3A_6 = arith.constant 0 : index
    %get3A_7 = vector.load %arg1[%get3A_4, %get3A_5, %get3A_6] : memref<2x2000x128xf32, #tpu.memory_space<vmem>>, vector<1x2000x128xf32>
    %get3A_8 = vector.shape_cast %get3A_7 : vector<1x2000x128xf32> to vector<2000x128xf32>
    %add3A = arith.addf %get3A_3, %get3A_8 : vector<2000x128xf32>
    %max3A = arith.constant 0.000000e+00 : f32
    %max3A_9 = vector.broadcast %max3A : f32 to vector<2000x128xf32>
    %max3A_10 = arith.maximumf %add3A, %max3A_9 : vector<2000x128xf32>
    %swap3A = arith.constant 0 : index
    %swap3A_11 = arith.constant 0 : index
    %swap3A_12 = vector.load %arg2[%swap3A, %swap3A_11] : memref<2000x128xf32, #tpu.memory_space<vmem>>, vector<2000x128xf32>
    tpu.vector_store %arg2[%swap3A, %swap3A_11], %max3A_10 {strides = array<i32>} : memref<2000x128xf32, #tpu.memory_space<vmem>>, vector<2000x128xf32>,
    return
  }
  func.func @transform_0(%arg0: i32) -> (i32, i32, i32) {
    %c0_i32 = arith.constant 0 : i32
    %c0_i32_0 = arith.constant 0 : i32
    %c0_i32_1 = arith.constant 0 : i32
    return %c0_i32, %arg0, %c0_i32_0 : i32, i32, i32
  }
  func.func @transform_1(%arg0: i32) -> (i32, i32) {
    %c0_i32 = arith.constant 0 : i32
    %c0_i32_0 = arith.constant 0 : i32
    return %arg0, %c0_i32 : i32, i32
  }
}

</mosaic_0001>

<sc_bundles>
// kernel: kernel.5.cloned.1.call-start
scs
__scs_entry_jumppad:
0x0: {  	(pc) =	sbr.rel $0x88, $3  }
0x1: {  	(tag) =	ssettag $0x0;
	lr =	simm.s32 $0x1  }
0x2: {  	[smem:$0x3F9C] =	sst lr;
	_ =	strace $0xD0000000  }
0x3: {  	_ = 	snop  }
0x4: {  	_ = 	snop  }
0x5: {  	_ = 	snop  }
0x6: {  	_ = 	snop  }
0x7: {  	_ = 	snop  }
__scs_overlays_trampoline_lowered:
0x8: {  	[smem:$0x3FAB] =	sst s0  }
0x9: {  	[smem:$0x3FAC] =	sst s1  }
0xa: {  	[smem:$0x3FAD] =	sst s2  }
0xb: {  	[smem:$0x3FAE] =	sst s3  }
0xc: {  	[smem:$0x3FAF] =	sst s4  }
0xd: {  	[smem:$0x3FB0] =	sst s5  }
0xe: {  	[smem:$0x3FB1] =	sst s6  }
0xf: {  	[smem:$0x3FB2] =	sst s7  }
0x10: {  	[smem:$0x3FB3] =	sst s8  }
0x11: {  	[smem:$0x3FB4] =	sst s9;
	s0 =	simm.s32 @!p0 $0x0  }
0x12: {  	s1 =	sld [smem:$0x3F9A];
	s0 =	simm.s32 @p0 $0x1  }
0x13: {  	[smem:$0x3FB5] =	sst s0;
	s0 =	simm.s32 @!p1 $0x0  }
0x14: {  	s2 =	sld [smem:$0x3F99];
	s0 =	simm.s32 @p1 $0x1  }
0x15: {  	[smem:$0x3FB6] =	sst s0;
	s0 =	simm.s32 @!p2 $0x0  }
0x16: {  	s3 =	sld [smem:$0x3FDB];
	s0 =	simm.s32 @p2 $0x1  }
0x17: {  	s4 =	simm.s32 $0x1BF5;
	[smem:$0x3FB8] =	sst s0  }
0x18: {  	s0 =	sld [smem:$0x3F9B];
	_ =	swait.ge [sflag:s4], $0x0  }
0x19: {  	s7 =	sld [smem:$0x3F9C]  }
0x1a: {  	s8 =	sadd.s32 $0xFFFFE003, lr  }
0x1b: {  	s9 =	sadd.s32 $0xFFFFFEF7, lr;
	s5 =	simm.s32 $0xFFFFFFFF;
	p2 =	slt.u32 s8, $0xFFFFF086  }
0x1c: {  	p1 =	slt.u32 s9, $0xF7A;
	s5 =	simm.s32 @!p2 $0x0  }
0x1d: {  	s5 =	simm.s32 @p1 $0x1;
	p0 =	seq.s32 s7, s2  }
0x1e: {  	s7 =	smul.u32 @!p0 $0xF7A, s2;
	p2 =	seq.s32 @!p0 s5, $0x0  }
0x1f: {  	s9 =	smul.u32 $0xF7A, s1;
	s8 =	simm.s32 @!p0 $0x1BF5;
	p2 =	por !p2, p0  }
0x20: {  	[sflag:s8] =	ssyncset.s32 @!p0 $0xFFFFF086;
	s6 =	sadd.s32 @!p0 s3, s7;
	s7 =	simm.s32 @!p0 $0x108  }
0x21: {  	s3 =	sadd.s32 s3, s9;
	s6 =	sadd.s32 @!p0 $0x88, s6;
	s7 =	simm.s32 @p2 $0x1082  }
0x22: {  	[simem:s7], [sflag:s8] =	dma.local @!p0 [hbm:s6], $0xF7A  }
0x23: {  	s9 =	sor.u32 $0xD0000000, s2;
	s6 =	simm.s32 $0x108;
	_ =	swait.ge @!p0 [sflag:s8], $0x0  }
0x24: {  	s3 =	sadd.s32 $0x88, s3;
	s6 =	simm.s32 @!p1 $0x1082;
	[sflag:s4] =	ssyncset.s32 $0xFFFFF086  }
0x25: {  	[simem:s6], [sflag:s4] =	dma.local [hbm:s3], $0xF7A  }
0x26: {  	[smem:$0x3F9C] =	sst s1;
	(tag) =	ssettag s2;
	_ =	strace s9  }
0x27: {  	s1 =	sld [smem:$0x3FAC]  }
0x28: {  	s2 =	sld [smem:$0x3FAD]  }
0x29: {  	s4 =	sld [smem:$0x3FAF]  }
0x2a: {  	p0 =	seq.s32 s5, $0x0;
	s5 =	sld [smem:$0x3FB0]  }
0x2b: {  	s6 =	sld [smem:$0x3FB1]  }
0x2c: {  	s7 =	sld [smem:$0x3FB2]  }
0x2d: {  	s3 =	simm.s32 $0x108;
	s8 =	sld [smem:$0x3FB3]  }
0x2e: {  	s3 =	simm.s32 @!p0 $0x1082;
	s9 =	sld [smem:$0x3FB4]  }
0x2f: {  	lr =	sadd.s32 s0, s3;
	s0 =	sld [smem:$0x3FAB]  }
0x30: {  	s3 =	sld [smem:$0x3FAE]  }
0x31: {  	[smem:$0x3FB7] =	sst s10  }
0x32: {  	s10 =	sld [smem:$0x3FB5];
	_ =	sdelay $0x3  }
0x33: {  	p0 =	seq.s32 s10, $0x1;
	s10 =	sld [smem:$0x3FB7];
	_ =	sdelay $0x3  }
0x34: {  	[smem:$0x3FB7] =	sst s10  }
0x35: {  	s10 =	sld [smem:$0x3FB6];
	_ =	sdelay $0x3  }
0x36: {  	p1 =	seq.s32 s10, $0x1;
	s10 =	sld [smem:$0x3FB7];
	_ =	sdelay $0x3  }
0x37: {  	[smem:$0x3FB7] =	sst s10  }
0x38: {  	s10 =	sld [smem:$0x3FB8]  }
0x39: {  	_ = 	snop;
	(pc) =	sbr.ind lr, $3  }
0x3a: {  	_ = 	snop  }
0x3b: {  	_ = 	snop  }
0x3c: {  	p2 =	seq.s32 s10, $0x1;
	s10 =	sld [smem:$0x3FB7]  }
0x3d: {  	_ =	shalt  }
0x3e: {  	_ =	shalt  }
0x3f: {  	_ =	shalt  }
0x40: {  	_ =	shalt  }
0x41: {  	_ =	shalt  }
0x42: {  	_ =	shalt  }
0x43: {  	_ =	shalt  }
0x44: {  	_ =	shalt  }
0x45: {  	_ =	shalt  }
0x46: {  	_ =	shalt  }
0x47: {  	_ =	shalt  }
0x48: {  	_ =	shalt  }
0x49: {  	_ =	shalt  }
0x4a: {  	_ =	shalt  }
0x4b: {  	_ =	shalt  }
0x4c: {  	_ =	shalt  }
0x4d: {  	_ =	shalt  }
0x4e: {  	_ =	shalt  }
0x4f: {  	_ =	shalt  }
0x50: {  	_ =	shalt  }
0x51: {  	_ =	shalt  }
0x52: {  	_ =	shalt  }
0x53: {  	_ =	shalt  }
0x54: {  	_ =	shalt  }
0x55: {  	_ =	shalt  }
0x56: {  	_ =	shalt  }
0x57: {  	_ =	shalt  }
0x58: {  	_ =	shalt  }
0x59: {  	_ =	shalt  }
0x5a: {  	_ =	shalt  }
0x5b: {  	_ =	shalt  }
0x5c: {  	_ =	shalt  }
0x5d: {  	_ =	shalt  }
0x5e: {  	_ =	shalt  }
0x5f: {  	_ =	shalt  }
0x60: {  	_ =	shalt  }
0x61: {  	_ =	shalt  }
0x62: {  	_ =	shalt  }
0x63: {  	_ =	shalt  }
0x64: {  	_ =	shalt  }
0x65: {  	_ =	shalt  }
0x66: {  	_ =	shalt  }
0x67: {  	_ =	shalt  }
0x68: {  	_ =	shalt  }
0x69: {  	_ =	shalt  }
0x6a: {  	_ =	shalt  }
0x6b: {  	_ =	shalt  }
0x6c: {  	_ =	shalt  }
0x6d: {  	_ =	shalt  }
0x6e: {  	_ =	shalt  }
0x6f: {  	_ =	shalt  }
0x70: {  	_ =	shalt  }
0x71: {  	_ =	shalt  }
0x72: {  	_ =	shalt  }
0x73: {  	_ =	shalt  }
0x74: {  	_ =	shalt  }
0x75: {  	_ =	shalt  }
0x76: {  	_ =	shalt  }
0x77: {  	_ =	shalt  }
0x78: {  	_ =	shalt  }
0x79: {  	_ =	shalt  }
0x7a: {  	_ =	shalt  }
0x7b: {  	_ =	shalt  }
0x7c: {  	_ =	shalt  }
0x7d: {  	_ =	shalt  }
0x7e: {  	_ =	shalt  }
0x7f: {  	_ =	shalt  }
0x80: {  	_ =	shalt  }
0x81: {  	_ =	shalt  }
0x82: {  	_ =	shalt  }
0x83: {  	_ =	shalt  }
0x84: {  	_ =	shalt  }
0x85: {  	_ =	shalt  }
0x86: {  	_ =	shalt  }
0x87: {  	_ =	shalt  }
.Lfunc_end0:
.L_simem_size_0:
called_computation_lowered:
.L_overlay_start_0:
0x88: {  	s2 =	sld [smem:$0x3FD9]  }
0x89: {  	s3 =	sld [smem:$0x3FFE];
	_ =	sdelay $0x1  }
0x8a: {  	s1 =	srdreg.scid  }
0x8b: {  	s0 =	sand.u32 $0x1, s1  }
0x8c: {  	s17 =	sshll.u32 s0, $0xA;
	s2 =	sadd.s32 s3, s2  }
0x8d: {  	s2 =	sadd.s32 s2, s17  }
0x8e: {  	[smem:$0x3FC3] =	sst s2  }
0x8f: {  	_ = 	snop  }
0x90: {  	s2 =	sld [smem:$0x3FD0];
	(tm) =	ssettm $0x1  }
0x91: {  	s18 =	sld [smem:$0x3FFB];
	_ =	sdelay $0x3  }
0x92: {  	_ =	strace s18  }
0x93: {  	s3 =	sld [smem:$0x3FFC];
	_ =	sdelay $0x3  }
0x94: {  	_ =	strace s3  }
0x95: {  	s3 =	sld [smem:$0x3FFD];
	_ =	sdelay $0x3  }
0x96: {  	_ =	strace s3  }
0x97: {  	_ =	strace $0x8FFFFFFF  }
0x98: {  	s19 =	sld [smem:$0x3FDB];
	_ =	sdelay $0x1  }
0x99: {  	s4 =	simm.s32 $_scs_section_size  }
0x9a: {  	s5 =	simm.s32 $_size__tile_overlayer_lowered;
	s6 =	simm.s32 $_tile_overlayer_lowered  }
0x9b: {  	s22 =	simm.s32 $0x1BFF;
	s21 =	sshll.u32 s6, $0x1;
	s3 =	sadd.s32 s4, s19  }
0x9c: {  	s7 =	simm.s32 $0x0;
	s20 =	sshll.u32 s5, $0x1;
	s5 =	sadd.s32 s21, s3  }
0x9d: {  	[timem:s7], [sflag:s22] =	dma.local [hbm:s5], s20  }
0x9e: {  	_ =	swait.ge [sflag:s22], s20  }
0x9f: {  	s4 =	ssub.s32 $0x0, s20;
	[sflag:s22] =	ssyncset.done $0x0  }
0xa0: {  	[sflag:s22] =	ssyncadd.s32 s4;
	_ =	sdelay $0x1  }
0xa1: {  	s23 =	simm.s32 $0x1B8B  }
0xa2: {  	_ =	swait.ge [sflag:s23], $0x1  }
0xa3: {  	[sflag:s23] =	ssyncset.done $0x0  }
0xa4: {  	s25 =	simm.s32 $0x1B8E;
	s24 =	sld [smem:$0x3FFE];
	[sflag:s23] =	ssyncadd.s32 $0xFFFFFFFF  }
0xa5: {  	s26 =	simm.s32 $execute0_lowered;
	[smem:$0x3FD2] =	sst s25  }
0xa6: {  	s5 =	sshll.u32 s26, $0x1;
	_ =	strace $0x80000046;
	[dreg:$0x1] =	wrdreg $0xFFFFFFFF  }
0xa7: {  	s28 =	simm.s32 $_size_execute0_lowered;
	s3 =	sadd.s32 s3, s5;
	[dreg:$0x0] =	wrdreg $0x0  }
0xa8: {  	s5 =	sshll.u32 s28, $0x1;
	[dreg:$0x2] =	wrdreg s3  }
0xa9: {  	[dreg:$0x3] =	wrdreg s5  }
0xaa: {  	[dreg:$0x4] =	wrdreg $0xC0  }
0xab: {  	_ =	task [dreg:s7], $0x5FFFF  }
0xac: {  	[dreg:$0x1] =	wrdreg $0xFFFFFFFF  }
0xad: {  	[dreg:$0x0] =	wrdreg $0x60  }
0xae: {  	[dreg:$0x2] =	wrdreg s24  }
0xaf: {  	[dreg:$0x3] =	wrdreg s2  }
0xb0: {  	[dreg:$0x4] =	wrdreg $0xC0000  }
0xb1: {  	[dreg:$0x5] =	wrdreg $0x9  }
0xb2: {  	_ =	task.clear_ibuf [dreg:s7], $0x6FFFF;
	_ =	strace $0x90000046  }
0xb3: {  	s29 =	simm.s32 $0x9;
	_ =	strace $0x80000048  }
0xb4: {  	_ =	swait.ge [sflag:s29], $0x1  }
0xb5: {  	[sflag:s29] =	ssyncadd.s32 $0xFFFFFFFF  }
0xb6: {  	_ =	strace $0x90000048  }
0xb7: {  	_ =	sfence  }
0xb8: {  	s30 =	sld [smem:$0x0];
	_ =	sdelay $0x2  }
0xb9: {  	s31 =	sshll.u32 s1, $0xD;
	s1 =	sshrl.u32 s1, $0x2  }
0xba: {  	s3 =	sand.u32 $0x4000, s31;
	s1 =	sadd.s32 s1, s30  }
0xbb: {  	s0 =	sor.u32 s3, s0;
	s1 =	sshll.u32 s1, $0x11  }
0xbc: {  	s0 =	sor.u32 s1, s0  }
0xbd: {  	s0 =	sadd.s32 $0x8F2B, s0  }
0xbe: {  	[sflag:s0] =	ssyncadd.remote.s32 $0x1  }
0xbf: {  	_ =	sfence.sel $0xFFFF  }
0xc0: {  	[dreg:$0x0] =	wrdreg $0xFFFFFFFF;
	(pc) =	sbr.abs _section_cstart, $3  }
0xc1: {  	[dreg:$0x1] =	wrdreg $0xFFFFFFFF  }
0xc2: {  	_ =	task.clear_ibuf [dreg:s7], $0x2FFFF;
	_ =	strace $0x9FFFFFFF  }
0xc3: {  	(tm) =	ssettm $0x7FFFFFFF  }
tec
execute0_lowered:
.L_overlay_start_1:
0x0: {  	(tag) =	ssettag $0x1  }
0x1: {  	s5 =	rddreg [dreg:$0x0]  }
0x2: {  	s7 =	rddreg [dreg:$0x1]  }
0x3: {  	s2 =	rddreg [dreg:$0x2]  }
0x4: {  	s0 =	rddreg [dreg:$0x3];
	s3 =	simm.s32 $0x0;
	s1 =	stileid.u32  }
0x5: {  	s4 =	srdreg.scid;
	s16 =	simm.s32 $0x8000;
	s17 =	simm.s32 $0x1  }
0x6: {  	s18 =	simm.s32 $0x2;
	s19 =	simm.s32 $0x0;
	s6 =	smul.u32 $0x2780, s1  }
0x7: {  	[smem:$0x7FF] =	sst s3;
	s8 =	sand.u32 $0x1, s4;
	s9 =	smul.u32 $0x13C00, s1  }
0x8: {  	s4 =	sadd.s32 $0x5600, s5;
	s10 =	sshll.u32 s1, $0x8;
	s12 =	sshll.u32 s1, $0xA  }
0x9: {  	s25 =	smul.u32 $0x4F000, s1;
	s31 =	sshll.u32 s1, $0x6;
	_ =	strace $0x80000047  }
0xa: {  	s11 =	smul.u32 $0x13C000, s8;
	p0 =	seq.s32 s8, $0x0;
	s10 =	sor.u32 $0x4000, s10  }
0xb: {  	s8 =	ssub.s32 $0x2, s8;
	s6 =	sadd.s32 s6, s5;
	s10 =	smov.u32 @p0 s12  }
0xc: {  	s26 =	sshrl.u32 s8, $0x1;
	s28 =	sshrl.u32 s25, $0x2;
	s29 =	sshrl.u32 s9, $0x3  }
0xd: {  	s11 =	sadd.s32 s9, s11;
	s13 =	sadd.s32 s10, s5;
	s14 =	ssub.s32 s8, s26  }
0xe: {  	s12 =	sadd.s32 s28, s2;
	s30 =	sadd.s32 s4, s29;
	s7 =	sadd.s32 s7, s10  }
0xf: {  	s10 =	simm.s32 $0x20;
	s11 =	sshrl.u32 s11, $0x3;
	s15 =	sadd.s32 $0x13C000, s30  }
0x10: {  	s9 =	smax.u32 s14, $0x1;
	s10 =	simm.s32 @!p0 $0x8;
	s12 =	sshrl.u32 s12, $0x3  }
0x11: {  	s14 =	simm.s32 $0x80;
	s11 =	sadd.s32 s11, s5;
	s5 =	sadd.s32 $0x168E00, s6  }
0x12: {  	s6 =	sadd.s32 $0x200, s13;
	s13 =	simm.s32 $0x3;
	s8 =	sadd.s32 $0x190600, s11  }
0x13: {  	s5 =	smov.u32 @p0 s15;
	s11 =	sor.u32 $0x1C03, s31;
	s15 =	simm.s32 $0x4000  }
.LBB2_1:
0x14: {  	[spmem:s12], [sflag:s11] =	dma.local [hbm:s5], $0x2780  }
0x15: {  	_ =	swait.ge [sflag:s13], $0x2780  }
0x16: {  	[sflag:s13] =	ssyncset.done $0x0  }
0x17: {  	[sflag:s13] =	ssyncadd.s32 $0xFFFFD880  }
0x18: {  	[bflag:$0x0] =	sbarrier.arrive $0xFFFF  }
0x19: {  	[tilespmem:s3], [sflag:$0x3] =	stream.linear.gather [hbm4b:s6+s3], $0x2000, $0x38;
	[tilespmem:$0x1FC00] =	vst v63  }
0x1a: {  	_ =	swait.ge [sflag:s13], $0x2000  }
0x1b: {  	[sflag:s13] =	ssyncset.done $0x0  }
0x1c: {  	s20 =	simm.s32 $0x2000;
	[sflag:s13] =	ssyncadd.s32 $0xFFFFE000  }
0x1d: {  	[tilespmem:s20], [sflag:$0x3] =	stream.linear.gather [hbm4b:s7+s3], $0x2000, $0x38;
	[tilespmem:$0x1FC00] =	vst v63  }
0x1e: {  	_ =	swait.ge [sflag:s13], $0x2000  }
0x1f: {  	[sflag:s13] =	ssyncset.done $0x0  }
0x20: {  	[sflag:s13] =	ssyncadd.s32 $0xFFFFE000  }
0x21: {  	[tilespmem:s15], [sflag:$0x1] =	stream.indirect.gather [hbm4b:s4+s14], $0x80, s3, s14, $0xb8;
	[tilespmem:$0x1FC00] =	vst v63  }
0x22: {  	s21 =	simm.s32 $0x80  }
0x23: {  	[tilespmem:s16], [sflag:$0x2] =	stream.indirect.gather [hbm4b:s4+s14], $0x80, s21, s14, $0xb8;
	[tilespmem:$0x1FC00] =	vst v63  }
0x24: {  	_ =	swait.ge [sflag:s17], $0x4000  }
0x25: {  	[sflag:s17] =	ssyncset.done $0x0  }
0x26: {  	[sflag:s17] =	ssyncadd.s32 $0xFFFFC000  }
0x27: {  	[spmem:s2] =	stream.indirect.scatter.add.f32 [tilespmem:s15], [sflag:$0x3], $0x80, s20, s14, $0xb8;
	[tilespmem:$0x1FC00] =	vst v63  }
0x28: {  	_ =	swait.ge [sflag:s13], $0x4000  }
0x29: {  	[sflag:s13] =	ssyncset.done $0x0  }
0x2a: {  	[sflag:s13] =	ssyncadd.s32 $0xFFFFC000  }
0x2b: {  	p0 =	sne.s32 s10, $0x1;
	_ =	swait.ge [sflag:s18], $0x4000  }
.Ltmp0:
0x2c: {  	[sflag:s18] =	ssyncset.done $0x0;
	(pc) =	sbr.rel @!p0 .LBB2_3-.Ltmp0, $4  }
0x2d: {  	s31 =	simm.s32 $0x2080;
	[sflag:s18] =	ssyncadd.s32 $0xFFFFC000  }
0x2e: {  	[spmem:s2] =	stream.indirect.scatter.add.f32 [tilespmem:s16], [sflag:$0x3], $0x80, s31, s14, $0xb8;
	[tilespmem:$0x1FC00] =	vst v63  }
0x2f: {  	_ =	swait.ge [sflag:s13], $0x4000  }
0x30: {  	s22 =	simm.s32 $0x0;
	s21 =	sadd.s32 $0xFFFFFFFF, s10;
	[sflag:s13] =	ssyncset.done $0x0  }
.LBB2_2:
0x31: {  	[sflag:s13] =	ssyncadd.s32 $0xFFFFC000;
	s22 =	sadd.s32 $0x100, s22;
	s20 =	sadd.s32 $0x100, s20  }
0x32: {  	[tilespmem:s15], [sflag:$0x1] =	stream.indirect.gather [hbm4b:s4+s14], $0x80, s22, s14, $0xb8;
	[tilespmem:$0x1FC00] =	vst v63  }
0x33: {  	p0 =	sne.s32 s21, $0x1;
	s21 =	sadd.s32 $0xFFFFFFFF, s21;
	s23 =	sadd.s32 $0x80, s22  }
0x34: {  	[tilespmem:s16], [sflag:$0x2] =	stream.indirect.gather [hbm4b:s4+s14], $0x80, s23, s14, $0xb8;
	[tilespmem:$0x1FC00] =	vst v63  }
0x35: {  	_ =	swait.ge [sflag:s17], $0x4000  }
0x36: {  	[sflag:s17] =	ssyncset.done $0x0  }
0x37: {  	[sflag:s17] =	ssyncadd.s32 $0xFFFFC000  }
0x38: {  	[spmem:s2] =	stream.indirect.scatter.add.f32 [tilespmem:s15], [sflag:$0x3], $0x80, s20, s14, $0xb8;
	[tilespmem:$0x1FC00] =	vst v63  }
0x39: {  	_ =	swait.ge [sflag:s13], $0x4000  }
0x3a: {  	[sflag:s13] =	ssyncset.done $0x0  }
0x3b: {  	[sflag:s13] =	ssyncadd.s32 $0xFFFFC000  }
0x3c: {  	_ =	swait.ge [sflag:s18], $0x4000  }
.Ltmp1:
0x3d: {  	[sflag:s18] =	ssyncset.done $0x0;
	(pc) =	sbr.rel @p0 .LBB2_2-.Ltmp1, $4  }
0x3e: {  	s23 =	sadd.s32 $0x80, s20;
	[sflag:s18] =	ssyncadd.s32 $0xFFFFC000  }
0x3f: {  	[spmem:s2] =	stream.indirect.scatter.add.f32 [tilespmem:s16], [sflag:$0x3], $0x80, s23, s14, $0xb8;
	[tilespmem:$0x1FC00] =	vst v63  }
0x40: {  	_ =	swait.ge [sflag:s13], $0x4000  }
0x41: {  	[sflag:s13] =	ssyncset.done $0x0  }
.LBB2_3:
0x42: {  	s19 =	sadd.s32 $0x1, s19  }
0x43: {  	[sflag:s13] =	ssyncadd.s32 $0xFFFFC000;
	p0 =	sne.s32 s19, s9  }
.Ltmp2:
0x44: {  	[bflag:$0x0] =	sbarrier.arrive $0xFFFF;
	(pc) =	sbr.rel @p0 .LBB2_1-.Ltmp2, $4  }
0x45: {  	[hbm:s8], [sflag:s11] =	dma.local [spmem:s12], $0x2780  }
0x46: {  	_ =	swait.ge [sflag:s13], $0x2780  }
0x47: {  	[sflag:s13] =	ssyncset.done $0x0  }
0x48: {  	[sflag:s13] =	ssyncadd.s32 $0xFFFFD880  }
0x49: {  	_ =	sfence.sel $0x180000  }
0x4a: {  	[bflag:$0x0] =	sbarrier.arrive $0xFFFF  }
0x4b: {  	p0 =	sne.s32 s1, $0x0;
	_ =	strace $0x90000047  }
0x4c: {  	s0 =	sadd.s32 @!p0 $0x100000, s0;
	[bflag:$0x2] =	sbarrier.arrive $0xFFFF  }
0x4d: {  	[sflag:s0] =	ssyncadd.tile.s32 @!p0 $0x1;
	_ =	shalt  }
.Lfunc_end2:
_tile_overlayer_lowered:
.L_overlay_start_2:
0x4e: {  	(tag) =	ssettag $0x2  }
0x4f: {  	s0 =	rddreg [dreg:$0x0];
	s2 =	stileid.u32  }
0x50: {  	s1 =	rddreg [dreg:$0x1];
	p0 =	sne.s32 s2, $0x0  }
0x51: {  	s3 =	rddreg [dreg:$0x2];
	[bflag:$0x3] =	sbarrier.arrive $0xFFFF;
	s2 =	simm.s32 @!p0 $0x1C03  }
0x52: {  	[timem:s3], [sflag:s2] =	dma.local @!p0 [hbm:s0], s1  }
0x53: {  	s0 =	simm.s32 @!p0 $0x3  }
0x54: {  	_ =	swait.ge @!p0 [sflag:s0], s1  }
0x55: {  	s1 =	ssub.s32 @!p0 $0x0, s1;
	[sflag:s0] =	ssyncset.done @!p0 $0x0  }
0x56: {  	[sflag:s0] =	ssyncadd.s32 @!p0 s1  }
0x57: {  	[bflag:$0x3] =	sbarrier.arrive $0xFFFF  }
0x58: {  	_ =	shalt  }

</sc_bundles>
